<compile_context>
chip_gen: v7x
topology: tpu7x:2x2x1
jax: 0.10.2.dev20260603
libtpu: 0.0.44.dev20260713+nightly
codegen_flags: <defaults>
</compile_context>

<pallas_src>
import functools

import jax
import jax.numpy as jnp
from jax import lax
from jax.experimental import pallas as pl
from jax.experimental.pallas import tpu as pltpu
from jax.experimental.pallas import tpu_sc as plsc

N_NODES = 10000
D = 128
NC, NS = 2, 16
NW = NC * NS
K = 128
RB = 1
RI = 1
ACC_ROWS = 10112
ROWS_PER_TILE = ACC_ROWS // NS
DEG_SLOTS = 10240

_mesh = plsc.VectorSubcoreMesh(core_axis_name="c", subcore_axis_name="s")


def _sc_scatter(n0, n1):

    @functools.partial(
        pl.kernel,
        out_type=(
            jax.ShapeDtypeStruct((NC, ACC_ROWS, D), jnp.float32),
            jax.ShapeDtypeStruct((NW, DEG_SLOTS), jnp.float32),
        ),
        mesh=_mesh,
        compiler_params=pltpu.CompilerParams(needs_layout_passes=False),
        scratch_types=[
            [pltpu.VMEM((K,), jnp.int32) for _ in range(RI)],
            [pltpu.VMEM((K,), jnp.int32) for _ in range(RI)],
            [pltpu.VMEM((K, D), jnp.float32) for _ in range(RB)],
            pltpu.VMEM((DEG_SLOTS,), jnp.float32),
            pltpu.VMEM_SHARED((ACC_ROWS, D), jnp.float32),
            pltpu.SemaphoreType.DMA,
            pltpu.SemaphoreType.DMA,
            pltpu.SemaphoreType.DMA,
        ],
    )
    def sc_kernel(x_hbm, src_hbm, dst_hbm, zeros_hbm, out_hbm, deg_hbm,
                  src_v, dst_v, rows_v, deg_v, acc_sh, sem_i, sem_g, sem_s):
        cid = lax.axis_index("c")
        sid = lax.axis_index("s")
        wid = cid * NS + sid
        r0 = sid * ROWS_PER_TILE
        pltpu.sync_copy(zeros_hbm.at[pl.ds(r0, ROWS_PER_TILE)],
                        acc_sh.at[pl.ds(r0, ROWS_PER_TILE)])

        zeros16 = jnp.zeros((16,), jnp.float32)

        def zloop(i, _):
            deg_v[pl.ds(i * 16, 16)] = zeros16
            return ()

        lax.fori_loop(0, DEG_SLOTS // 16, zloop, ())
        plsc.subcore_barrier()

        n_chunks = jnp.where(cid == 0, n0, n1)
        base = jnp.where(cid == 0, sid * (n0 * K),
                         NS * (n0 * K) + sid * (n1 * K))
        ones16 = jnp.full((16,), 1.0, jnp.float32)

        def body(c, _):
            off = base + c * K
            pltpu.sync_copy(src_hbm.at[pl.ds(off, K)], src_v[0])
            pltpu.sync_copy(dst_hbm.at[pl.ds(off, K)], dst_v[0])
            pltpu.async_copy(x_hbm.at[src_v[0]], rows_v[0], sem_g).wait()
            pltpu.sync_copy(rows_v[0], acc_sh.at[dst_v[0]], add=True)
            for jj in range(K // 16):
                d16 = dst_v[0][pl.ds(jj * 16, 16)]
                plsc.addupdate_scatter(deg_v, [d16], ones16)
            return ()

        lax.fori_loop(0, n_chunks, body, ())

        pltpu.sync_copy(deg_v, deg_hbm.at[wid])
        plsc.subcore_barrier()
        pltpu.sync_copy(acc_sh.at[pl.ds(r0, ROWS_PER_TILE)],
                        out_hbm.at[cid].at[pl.ds(r0, ROWS_PER_TILE)])

    return sc_kernel


def _fin_body(acc_ref, deg_ref, w_ref, o_ref):
    s = acc_ref[0] + acc_ref[1]
    o_ref[:, :D] = s
    deg = jnp.sum(deg_ref[...], axis=0)
    o_ref[:, D:] = deg * w_ref[...]


def _finalize(acc, deg, weight):
    B = 400
    grid = (N_NODES // B,)
    return pl.pallas_call(
        _fin_body,
        grid=grid,
        in_specs=[
            pl.BlockSpec((NC, B, D), lambda i: (0, i, 0)),
            pl.BlockSpec((NW, B, 1), lambda i: (0, i, 0)),
            pl.BlockSpec((1, D), lambda i: (0, 0)),
        ],
        out_specs=pl.BlockSpec((B, 2 * D), lambda i: (i, 0)),
        out_shape=jax.ShapeDtypeStruct((N_NODES, 2 * D), jnp.float32),
    )(acc, deg, weight)


CORE0_FRAC = 0.58


@jax.jit
def kernel(x, edge_index, weight):
    n_edges = edge_index.shape[1]
    n_total = (n_edges + NS * K - 1) // (NS * K)
    n0 = max(1, round(n_total * CORE0_FRAC))
    n1 = n_total - n0
    e_pad = NS * K * n_total

    src = edge_index[0].astype(jnp.int32)
    dst = edge_index[1].astype(jnp.int32)
    pad = e_pad - n_edges
    src = jnp.concatenate([src, jnp.zeros((pad,), jnp.int32)])
    dst = jnp.concatenate([dst, jnp.full((pad,), N_NODES, jnp.int32)])

    zeros = jnp.zeros((ACC_ROWS, D), jnp.float32)

    acc, deg = _sc_scatter(n0, n1)(x, src, dst, zeros)
    deg = deg[:, :N_NODES].reshape(NW, N_NODES, 1)
    return _finalize(acc, deg, weight)

# --- scband reference (transcript-rebuilt; emitter-appended) ---
"""Pipeline reference for scband-node-prompt-layer-feature-cat-edge-21534966022315 (READ-ONLY COPY).

The authoritative reference and input builder live on the scoring server;
editing this copy changes nothing except your own understanding.
"""

import jax, jax.numpy as jnp
import numpy as np

N_NODES = 10000
N_EDGES = 320000
D_FEAT = 128
PROMPT_DIM = 128


def setup_inputs(seed: int = 0) -> dict:
    key = jax.random.key(seed)
    k1, k2, k3 = jax.random.split(key, 3)
    x = jax.random.normal(k1, (N_NODES, D_FEAT), dtype=jnp.float32)
    edge_index = jax.random.randint(k2, (2, N_EDGES), 0, N_NODES, dtype=jnp.int64)
    # xavier_uniform for weight of shape (1, prompt_dim): fan_in=1, fan_out=prompt_dim
    bound = float(np.sqrt(6.0 / (1 + PROMPT_DIM)))
    weight = jax.random.uniform(k3, (1, PROMPT_DIM), dtype=jnp.float32, minval=-bound, maxval=bound)
    return {"x": x, "edge_index": edge_index, "weight": weight}


def reference(x, edge_index, weight):
    # DGL update_all with message = cat(src['ft'], edge['p']) and fn.sum reduce to dst.
    src = edge_index[0]
    dst = edge_index[1]
    enum = edge_index.shape[1]
    # broadcast prompt weight to all edges
    p = jnp.broadcast_to(weight, (enum, weight.shape[1]))
    # gather source node features per edge
    src_ft = jnp.take(x, src, axis=0)
    # message: concat along feature dim
    m = jnp.concatenate([src_ft, p], axis=1)
    # sum-reduce messages onto destination nodes (scatter-add)
    res = jax.ops.segment_sum(m, dst, num_segments=x.shape[0])
    return res

if __name__ == "__main__":
    import jax
    _d = setup_inputs()
    print(jax.jit(kernel)(*tuple(_d.values())))

</pallas_src>

<mosaic_0001>
#map = affine_map<(d0, d1) -> (0, 0)>
#map1 = affine_map<(d0, d1) -> (0)>
#map2 = affine_map<(d0, d1) -> (0, 0, 0)>
module attributes {stable_mosaic.version = 14 : i64} {
  func.func @sc_kernel(%arg0: i32, %arg1: i32, %arg2: memref<10000x128xf32, #tpu.memory_space<hbm>>, %arg3: memref<321536xi32, #tpu.memory_space<hbm>>, %arg4: memref<321536xi32, #tpu.memory_space<hbm>>, %arg5: memref<10112x128xf32, #tpu.memory_space<hbm>>, %arg6: memref<2x10112x128xf32, #tpu.memory_space<hbm>>, %arg7: memref<32x10240xf32, #tpu.memory_space<hbm>>, %arg8: memref<128xi32, #tpu.memory_space<vmem>>, %arg9: memref<128xi32, #tpu.memory_space<vmem>>, %arg10: memref<128x128xf32, #tpu.memory_space<vmem>>, %arg11: memref<10240xf32, #tpu.memory_space<vmem>>, %arg12: memref<10112x128xf32, #tpu.memory_space<vmem_shared>>, %arg13: memref<!tpu.dma_semaphore, #tpu.memory_space<semaphore_mem>>, %arg14: memref<!tpu.dma_semaphore, #tpu.memory_space<semaphore_mem>>, %arg15: memref<!tpu.dma_semaphore, #tpu.memory_space<semaphore_mem>>) attributes {dimension_semantics = [#tpu.dimension_semantics<core_parallel>, #tpu.dimension_semantics<subcore_parallel>], iteration_bounds = array<i64: 2, 16>, scalar_prefetch = 0 : i64, scratch_operands = 8 : i64, tpu.core_type = #tpu.core_type<sc_vector_subcore>, window_params = [{transform_indices = #map}, {transform_indices = #map1}, {transform_indices = #map1}, {transform_indices = #map}, {transform_indices = #map2}, {transform_indices = #map}]} {
    %mul3A = arith.constant 16 : i32
    %mul3A_0 = arith.muli %arg0, %mul3A : i32
    %add3A = arith.addi %mul3A_0, %arg1 : i32
    %mul3A_1 = arith.constant 632 : i32
    %mul3A_2 = arith.muli %arg1, %mul3A_1 : i32
    "tpu.region"() ({
      %run_scoped3A = tpu.sem_alloc : memref<!tpu.dma_semaphore, #tpu.memory_space<semaphore_mem>>
      %dma_start3A = arith.constant 0 : i32
      %dma_start3A_30 = tpu.memref_slice %arg12[%mul3A_2, %dma_start3A] : memref<10112x128xf32, #tpu.memory_space<vmem_shared>> -> memref<632x128xf32, #tpu.memory_space<vmem_shared>>
      %dma_start3A_31 = arith.constant 0 : i32
      %dma_start3A_32 = tpu.memref_slice %arg5[%mul3A_2, %dma_start3A_31] : memref<10112x128xf32, #tpu.memory_space<hbm>> -> memref<632x128xf32, #tpu.memory_space<hbm>>
      tpu.enqueue_dma source(%dma_start3A_32 : memref<632x128xf32, #tpu.memory_space<hbm>>) target(%dma_start3A_30 : memref<632x128xf32, #tpu.memory_space<vmem_shared>>) target_semaphore(%run_scoped3A : memref<!tpu.dma_semaphore, #tpu.memory_space<semaphore_mem>>)
      %dma_wait3A = arith.constant 0 : i32
      %dma_wait3A_33 = tpu.memref_slice %arg12[%mul3A_2, %dma_wait3A] : memref<10112x128xf32, #tpu.memory_space<vmem_shared>> -> memref<632x128xf32, #tpu.memory_space<vmem_shared>>
      %dma_wait3A_34 = arith.constant 0 : i32
      %dma_wait3A_35 = tpu.memref_slice %arg5[%mul3A_2, %dma_wait3A_34] : memref<10112x128xf32, #tpu.memory_space<hbm>> -> memref<632x128xf32, #tpu.memory_space<hbm>>
      tpu.wait_dma2 semaphore(%run_scoped3A : memref<!tpu.dma_semaphore, #tpu.memory_space<semaphore_mem>>) src(%dma_wait3A_35 : memref<632x128xf32, #tpu.memory_space<hbm>>) dst(%dma_wait3A_33 : memref<632x128xf32, #tpu.memory_space<vmem_shared>>)
      tpu.yield
    }) : () -> ()
    %broadcast_in_dim3A = arith.constant 0.000000e+00 : f32
    %broadcast_in_dim3A_3 = vector.broadcast %broadcast_in_dim3A : f32 to vector<16xf32>
    %scan3A = arith.constant 0 : i32
    %scan3A_4 = arith.constant 640 : i32
    %scan3A_5 = arith.addi %scan3A, %scan3A_4 : i32
    %scan3A_6 = arith.constant 1 : i32
    scf.for %scan3A_30 = %scan3A to %scan3A_5 step %scan3A_6  : i32 {
      %mul3A_31 = arith.constant 16 : i32
      %mul3A_32 = arith.muli %scan3A_30, %mul3A_31 : i32
      %swap3A = arith.index_cast %mul3A_32 : i32 to index
      %swap3A_33 = tpu.vector_load %arg11[%swap3A] {strides = array<i32>} : memref<10240xf32, #tpu.memory_space<vmem>>, vector<16xf32>,
      tpu.vector_store %arg11[%swap3A], %broadcast_in_dim3A_3 {strides = array<i32>} : memref<10240xf32, #tpu.memory_space<vmem>>, vector<16xf32>,
    }
    %scan3A_7 = arith.constant 640 : i32
    %barrier3A = arith.constant 0 : index
    tpu.barrier barrier_id(%barrier3A)
    %eq3A = arith.constant 0 : i32
    %eq3A_8 = arith.cmpi eq, %arg0, %eq3A : i32
    %jit3A = arith.constant 91 : i32
    %jit3A_9 = arith.constant 66 : i32
    %select_n3A = arith.select %eq3A_8, %jit3A, %jit3A_9 : i32
    %eq3A_10 = arith.constant 0 : i32
    %eq3A_11 = arith.cmpi eq, %arg0, %eq3A_10 : i32
    %mul3A_12 = arith.constant 11648 : i32
    %mul3A_13 = arith.muli %arg1, %mul3A_12 : i32
    %mul3A_14 = arith.constant 8448 : i32
    %mul3A_15 = arith.muli %arg1, %mul3A_14 : i32
    %add3A_16 = arith.constant 186368 : i32
    %add3A_17 = arith.addi %add3A_16, %mul3A_15 : i32
    %select_n3A_18 = arith.select %eq3A_11, %mul3A_13, %add3A_17 : i32
    %broadcast_in_dim3A_19 = arith.constant 1.000000e+00 : f32
    %broadcast_in_dim3A_20 = vector.broadcast %broadcast_in_dim3A_19 : f32 to vector<16xf32>
    %while3A = arith.constant 0 : i32
    %while3A_21 = arith.subi %select_n3A, %while3A : i32
    %while3A_22 = arith.addi %while3A, %while3A_21 : i32
    %while3A_23 = arith.constant 1 : i32
    %while3A_24 = arith.divsi %while3A_21, %while3A_23 : i32
    %while3A_25 = arith.muli %while3A_24, %while3A_23 : i32
    %while3A_26 = arith.addi %while3A, %while3A_25 : i32
    %while3A_27 = arith.constant 1 : i32
    scf.for %while3A_30 = %while3A to %while3A_26 step %while3A_27  : i32 {
      %mul3A_31 = arith.constant 128 : i32
      %mul3A_32 = arith.muli %while3A_30, %mul3A_31 : i32
      %add3A_33 = arith.addi %select_n3A_18, %mul3A_32 : i32
      "tpu.region"() ({
        %run_scoped3A = tpu.sem_alloc : memref<!tpu.dma_semaphore, #tpu.memory_space<semaphore_mem>>
        %dma_start3A_53 = tpu.memref_slice %arg3[%add3A_33] : memref<321536xi32, #tpu.memory_space<hbm>> -> memref<128xi32, #tpu.memory_space<hbm>>
        %dma_start3A_54 = tpu.memref_slice %arg3[%add3A_33] : memref<321536xi32, #tpu.memory_space<hbm>> -> memref<128xi32, #tpu.memory_space<hbm>>
        tpu.enqueue_dma source(%dma_start3A_54 : memref<128xi32, #tpu.memory_space<hbm>>) target(%arg8 : memref<128xi32, #tpu.memory_space<vmem>>) target_semaphore(%run_scoped3A : memref<!tpu.dma_semaphore, #tpu.memory_space<semaphore_mem>>)
        %dma_wait3A_55 = tpu.memref_slice %arg3[%add3A_33] : memref<321536xi32, #tpu.memory_space<hbm>> -> memref<128xi32, #tpu.memory_space<hbm>>
        %dma_wait3A_56 = tpu.memref_slice %arg3[%add3A_33] : memref<321536xi32, #tpu.memory_space<hbm>> -> memref<128xi32, #tpu.memory_space<hbm>>
        tpu.wait_dma2 semaphore(%run_scoped3A : memref<!tpu.dma_semaphore, #tpu.memory_space<semaphore_mem>>) src(%dma_wait3A_56 : memref<128xi32, #tpu.memory_space<hbm>>) dst(%arg8 : memref<128xi32, #tpu.memory_space<vmem>>)
        tpu.yield
      }) : () -> ()
      "tpu.region"() ({
        %run_scoped3A = tpu.sem_alloc : memref<!tpu.dma_semaphore, #tpu.memory_space<semaphore_mem>>
        %dma_start3A_53 = tpu.memref_slice %arg4[%add3A_33] : memref<321536xi32, #tpu.memory_space<hbm>> -> memref<128xi32, #tpu.memory_space<hbm>>
        %dma_start3A_54 = tpu.memref_slice %arg4[%add3A_33] : memref<321536xi32, #tpu.memory_space<hbm>> -> memref<128xi32, #tpu.memory_space<hbm>>
        tpu.enqueue_dma source(%dma_start3A_54 : memref<128xi32, #tpu.memory_space<hbm>>) target(%arg9 : memref<128xi32, #tpu.memory_space<vmem>>) target_semaphore(%run_scoped3A : memref<!tpu.dma_semaphore, #tpu.memory_space<semaphore_mem>>)
        %dma_wait3A_55 = tpu.memref_slice %arg4[%add3A_33] : memref<321536xi32, #tpu.memory_space<hbm>> -> memref<128xi32, #tpu.memory_space<hbm>>
        %dma_wait3A_56 = tpu.memref_slice %arg4[%add3A_33] : memref<321536xi32, #tpu.memory_space<hbm>> -> memref<128xi32, #tpu.memory_space<hbm>>
        tpu.wait_dma2 semaphore(%run_scoped3A : memref<!tpu.dma_semaphore, #tpu.memory_space<semaphore_mem>>) src(%dma_wait3A_56 : memref<128xi32, #tpu.memory_space<hbm>>) dst(%arg9 : memref<128xi32, #tpu.memory_space<vmem>>)
        tpu.yield
      }) : () -> ()
      %dma_start3A = arith.constant 0 : i32
      %dma_start3A_34 = arith.constant 0 : i32
      %dma_start3A_35 = tpu.memref_slice %arg2[%dma_start3A, %dma_start3A_34] : memref<10000x128xf32, #tpu.memory_space<hbm>> -> memref<10000x128xf32, #tpu.memory_space<hbm>>
      tpu.enqueue_indirect_dma source(%dma_start3A_35 : memref<10000x128xf32, #tpu.memory_space<hbm>>) target(%arg10 : memref<128x128xf32, #tpu.memory_space<vmem>>) offsets(%arg8 : memref<128xi32, #tpu.memory_space<vmem>>) semaphore(%arg14 : memref<!tpu.dma_semaphore, #tpu.memory_space<semaphore_mem>>)
      %dma_wait3A = arith.constant 0 : i32
      %dma_wait3A_36 = arith.constant 0 : i32
      %dma_wait3A_37 = tpu.memref_slice %arg2[%dma_wait3A, %dma_wait3A_36] : memref<10000x128xf32, #tpu.memory_space<hbm>> -> memref<10000x128xf32, #tpu.memory_space<hbm>>
      tpu.wait_indirect_dma semaphore(%arg14 : memref<!tpu.dma_semaphore, #tpu.memory_space<semaphore_mem>>) src(%dma_wait3A_37 : memref<10000x128xf32, #tpu.memory_space<hbm>>) dst(%arg10 : memref<128x128xf32, #tpu.memory_space<vmem>>)
      "tpu.region"() ({
        %run_scoped3A = tpu.sem_alloc : memref<!tpu.dma_semaphore, #tpu.memory_space<semaphore_mem>>
        %dma_start3A_53 = arith.constant 0 : i32
        %dma_start3A_54 = arith.constant 0 : i32
        %dma_start3A_55 = tpu.memref_slice %arg12[%dma_start3A_53, %dma_start3A_54] : memref<10112x128xf32, #tpu.memory_space<vmem_shared>> -> memref<10112x128xf32, #tpu.memory_space<vmem_shared>>
        tpu.enqueue_indirect_dma source(%arg10 : memref<128x128xf32, #tpu.memory_space<vmem>>) target(%dma_start3A_55 : memref<10112x128xf32, #tpu.memory_space<vmem_shared>>) offsets(%arg9 : memref<128xi32, #tpu.memory_space<vmem>>) semaphore(%run_scoped3A : memref<!tpu.dma_semaphore, #tpu.memory_space<semaphore_mem>>) {add = true}
        %dma_wait3A_56 = arith.constant 0 : i32
        %dma_wait3A_57 = arith.constant 0 : i32
        %dma_wait3A_58 = tpu.memref_slice %arg12[%dma_wait3A_56, %dma_wait3A_57] : memref<10112x128xf32, #tpu.memory_space<vmem_shared>> -> memref<10112x128xf32, #tpu.memory_space<vmem_shared>>
        tpu.wait_indirect_dma semaphore(%run_scoped3A : memref<!tpu.dma_semaphore, #tpu.memory_space<semaphore_mem>>) src(%arg10 : memref<128x128xf32, #tpu.memory_space<vmem>>) dst(%dma_wait3A_58 : memref<10112x128xf32, #tpu.memory_space<vmem_shared>>)
        tpu.yield
      }) : () -> ()
      %get3A = arith.constant 0 : index
      %get3A_38 = tpu.vector_load %arg9[%get3A] {strides = array<i32>} : memref<128xi32, #tpu.memory_space<vmem>>, vector<16xi32>,
      tpu.vector_store_idx %arg11[%get3A_38], %broadcast_in_dim3A_20 {add = true} : memref<10240xf32, #tpu.memory_space<vmem>>[vector<16xi32>], vector<16xf32>,
      %get3A_39 = arith.constant 16 : index
      %get3A_40 = tpu.vector_load %arg9[%get3A_39] {strides = array<i32>} : memref<128xi32, #tpu.memory_space<vmem>>, vector<16xi32>,
      tpu.vector_store_idx %arg11[%get3A_40], %broadcast_in_dim3A_20 {add = true} : memref<10240xf32, #tpu.memory_space<vmem>>[vector<16xi32>], vector<16xf32>,
      %get3A_41 = arith.constant 32 : index
      %get3A_42 = tpu.vector_load %arg9[%get3A_41] {strides = array<i32>} : memref<128xi32, #tpu.memory_space<vmem>>, vector<16xi32>,
      tpu.vector_store_idx %arg11[%get3A_42], %broadcast_in_dim3A_20 {add = true} : memref<10240xf32, #tpu.memory_space<vmem>>[vector<16xi32>], vector<16xf32>,
      %get3A_43 = arith.constant 48 : index
      %get3A_44 = tpu.vector_load %arg9[%get3A_43] {strides = array<i32>} : memref<128xi32, #tpu.memory_space<vmem>>, vector<16xi32>,
      tpu.vector_store_idx %arg11[%get3A_44], %broadcast_in_dim3A_20 {add = true} : memref<10240xf32, #tpu.memory_space<vmem>>[vector<16xi32>], vector<16xf32>,
      %get3A_45 = arith.constant 64 : index
      %get3A_46 = tpu.vector_load %arg9[%get3A_45] {strides = array<i32>} : memref<128xi32, #tpu.memory_space<vmem>>, vector<16xi32>,
      tpu.vector_store_idx %arg11[%get3A_46], %broadcast_in_dim3A_20 {add = true} : memref<10240xf32, #tpu.memory_space<vmem>>[vector<16xi32>], vector<16xf32>,
      %get3A_47 = arith.constant 80 : index
      %get3A_48 = tpu.vector_load %arg9[%get3A_47] {strides = array<i32>} : memref<128xi32, #tpu.memory_space<vmem>>, vector<16xi32>,
      tpu.vector_store_idx %arg11[%get3A_48], %broadcast_in_dim3A_20 {add = true} : memref<10240xf32, #tpu.memory_space<vmem>>[vector<16xi32>], vector<16xf32>,
      %get3A_49 = arith.constant 96 : index
      %get3A_50 = tpu.vector_load %arg9[%get3A_49] {strides = array<i32>} : memref<128xi32, #tpu.memory_space<vmem>>, vector<16xi32>,
      tpu.vector_store_idx %arg11[%get3A_50], %broadcast_in_dim3A_20 {add = true} : memref<10240xf32, #tpu.memory_space<vmem>>[vector<16xi32>], vector<16xf32>,
      %get3A_51 = arith.constant 112 : index
      %get3A_52 = tpu.vector_load %arg9[%get3A_51] {strides = array<i32>} : memref<128xi32, #tpu.memory_space<vmem>>, vector<16xi32>,
      tpu.vector_store_idx %arg11[%get3A_52], %broadcast_in_dim3A_20 {add = true} : memref<10240xf32, #tpu.memory_space<vmem>>[vector<16xi32>], vector<16xf32>,
    }
    %while3A_28 = arith.constant 1 : i32
    scf.for %while3A_30 = %while3A_26 to %while3A_22 step %while3A_28  : i32 {
      %mul3A_31 = arith.constant 128 : i32
      %mul3A_32 = arith.muli %while3A_30, %mul3A_31 : i32
      %add3A_33 = arith.addi %select_n3A_18, %mul3A_32 : i32
      "tpu.region"() ({
        %run_scoped3A = tpu.sem_alloc : memref<!tpu.dma_semaphore, #tpu.memory_space<semaphore_mem>>
        %dma_start3A_53 = tpu.memref_slice %arg3[%add3A_33] : memref<321536xi32, #tpu.memory_space<hbm>> -> memref<128xi32, #tpu.memory_space<hbm>>
        %dma_start3A_54 = tpu.memref_slice %arg3[%add3A_33] : memref<321536xi32, #tpu.memory_space<hbm>> -> memref<128xi32, #tpu.memory_space<hbm>>
        tpu.enqueue_dma source(%dma_start3A_54 : memref<128xi32, #tpu.memory_space<hbm>>) target(%arg8 : memref<128xi32, #tpu.memory_space<vmem>>) target_semaphore(%run_scoped3A : memref<!tpu.dma_semaphore, #tpu.memory_space<semaphore_mem>>)
        %dma_wait3A_55 = tpu.memref_slice %arg3[%add3A_33] : memref<321536xi32, #tpu.memory_space<hbm>> -> memref<128xi32, #tpu.memory_space<hbm>>
        %dma_wait3A_56 = tpu.memref_slice %arg3[%add3A_33] : memref<321536xi32, #tpu.memory_space<hbm>> -> memref<128xi32, #tpu.memory_space<hbm>>
        tpu.wait_dma2 semaphore(%run_scoped3A : memref<!tpu.dma_semaphore, #tpu.memory_space<semaphore_mem>>) src(%dma_wait3A_56 : memref<128xi32, #tpu.memory_space<hbm>>) dst(%arg8 : memref<128xi32, #tpu.memory_space<vmem>>)
        tpu.yield
      }) : () -> ()
      "tpu.region"() ({
        %run_scoped3A = tpu.sem_alloc : memref<!tpu.dma_semaphore, #tpu.memory_space<semaphore_mem>>
        %dma_start3A_53 = tpu.memref_slice %arg4[%add3A_33] : memref<321536xi32, #tpu.memory_space<hbm>> -> memref<128xi32, #tpu.memory_space<hbm>>
        %dma_start3A_54 = tpu.memref_slice %arg4[%add3A_33] : memref<321536xi32, #tpu.memory_space<hbm>> -> memref<128xi32, #tpu.memory_space<hbm>>
        tpu.enqueue_dma source(%dma_start3A_54 : memref<128xi32, #tpu.memory_space<hbm>>) target(%arg9 : memref<128xi32, #tpu.memory_space<vmem>>) target_semaphore(%run_scoped3A : memref<!tpu.dma_semaphore, #tpu.memory_space<semaphore_mem>>)
        %dma_wait3A_55 = tpu.memref_slice %arg4[%add3A_33] : memref<321536xi32, #tpu.memory_space<hbm>> -> memref<128xi32, #tpu.memory_space<hbm>>
        %dma_wait3A_56 = tpu.memref_slice %arg4[%add3A_33] : memref<321536xi32, #tpu.memory_space<hbm>> -> memref<128xi32, #tpu.memory_space<hbm>>
        tpu.wait_dma2 semaphore(%run_scoped3A : memref<!tpu.dma_semaphore, #tpu.memory_space<semaphore_mem>>) src(%dma_wait3A_56 : memref<128xi32, #tpu.memory_space<hbm>>) dst(%arg9 : memref<128xi32, #tpu.memory_space<vmem>>)
        tpu.yield
      }) : () -> ()
      %dma_start3A = arith.constant 0 : i32
      %dma_start3A_34 = arith.constant 0 : i32
      %dma_start3A_35 = tpu.memref_slice %arg2[%dma_start3A, %dma_start3A_34] : memref<10000x128xf32, #tpu.memory_space<hbm>> -> memref<10000x128xf32, #tpu.memory_space<hbm>>
      tpu.enqueue_indirect_dma source(%dma_start3A_35 : memref<10000x128xf32, #tpu.memory_space<hbm>>) target(%arg10 : memref<128x128xf32, #tpu.memory_space<vmem>>) offsets(%arg8 : memref<128xi32, #tpu.memory_space<vmem>>) semaphore(%arg14 : memref<!tpu.dma_semaphore, #tpu.memory_space<semaphore_mem>>)
      %dma_wait3A = arith.constant 0 : i32
      %dma_wait3A_36 = arith.constant 0 : i32
      %dma_wait3A_37 = tpu.memref_slice %arg2[%dma_wait3A, %dma_wait3A_36] : memref<10000x128xf32, #tpu.memory_space<hbm>> -> memref<10000x128xf32, #tpu.memory_space<hbm>>
      tpu.wait_indirect_dma semaphore(%arg14 : memref<!tpu.dma_semaphore, #tpu.memory_space<semaphore_mem>>) src(%dma_wait3A_37 : memref<10000x128xf32, #tpu.memory_space<hbm>>) dst(%arg10 : memref<128x128xf32, #tpu.memory_space<vmem>>)
      "tpu.region"() ({
        %run_scoped3A = tpu.sem_alloc : memref<!tpu.dma_semaphore, #tpu.memory_space<semaphore_mem>>
        %dma_start3A_53 = arith.constant 0 : i32
        %dma_start3A_54 = arith.constant 0 : i32
        %dma_start3A_55 = tpu.memref_slice %arg12[%dma_start3A_53, %dma_start3A_54] : memref<10112x128xf32, #tpu.memory_space<vmem_shared>> -> memref<10112x128xf32, #tpu.memory_space<vmem_shared>>
        tpu.enqueue_indirect_dma source(%arg10 : memref<128x128xf32, #tpu.memory_space<vmem>>) target(%dma_start3A_55 : memref<10112x128xf32, #tpu.memory_space<vmem_shared>>) offsets(%arg9 : memref<128xi32, #tpu.memory_space<vmem>>) semaphore(%run_scoped3A : memref<!tpu.dma_semaphore, #tpu.memory_space<semaphore_mem>>) {add = true}
        %dma_wait3A_56 = arith.constant 0 : i32
        %dma_wait3A_57 = arith.constant 0 : i32
        %dma_wait3A_58 = tpu.memref_slice %arg12[%dma_wait3A_56, %dma_wait3A_57] : memref<10112x128xf32, #tpu.memory_space<vmem_shared>> -> memref<10112x128xf32, #tpu.memory_space<vmem_shared>>
        tpu.wait_indirect_dma semaphore(%run_scoped3A : memref<!tpu.dma_semaphore, #tpu.memory_space<semaphore_mem>>) src(%arg10 : memref<128x128xf32, #tpu.memory_space<vmem>>) dst(%dma_wait3A_58 : memref<10112x128xf32, #tpu.memory_space<vmem_shared>>)
        tpu.yield
      }) : () -> ()
      %get3A = arith.constant 0 : index
      %get3A_38 = tpu.vector_load %arg9[%get3A] {strides = array<i32>} : memref<128xi32, #tpu.memory_space<vmem>>, vector<16xi32>,
      tpu.vector_store_idx %arg11[%get3A_38], %broadcast_in_dim3A_20 {add = true} : memref<10240xf32, #tpu.memory_space<vmem>>[vector<16xi32>], vector<16xf32>,
      %get3A_39 = arith.constant 16 : index
      %get3A_40 = tpu.vector_load %arg9[%get3A_39] {strides = array<i32>} : memref<128xi32, #tpu.memory_space<vmem>>, vector<16xi32>,
      tpu.vector_store_idx %arg11[%get3A_40], %broadcast_in_dim3A_20 {add = true} : memref<10240xf32, #tpu.memory_space<vmem>>[vector<16xi32>], vector<16xf32>,
      %get3A_41 = arith.constant 32 : index
      %get3A_42 = tpu.vector_load %arg9[%get3A_41] {strides = array<i32>} : memref<128xi32, #tpu.memory_space<vmem>>, vector<16xi32>,
      tpu.vector_store_idx %arg11[%get3A_42], %broadcast_in_dim3A_20 {add = true} : memref<10240xf32, #tpu.memory_space<vmem>>[vector<16xi32>], vector<16xf32>,
      %get3A_43 = arith.constant 48 : index
      %get3A_44 = tpu.vector_load %arg9[%get3A_43] {strides = array<i32>} : memref<128xi32, #tpu.memory_space<vmem>>, vector<16xi32>,
      tpu.vector_store_idx %arg11[%get3A_44], %broadcast_in_dim3A_20 {add = true} : memref<10240xf32, #tpu.memory_space<vmem>>[vector<16xi32>], vector<16xf32>,
      %get3A_45 = arith.constant 64 : index
      %get3A_46 = tpu.vector_load %arg9[%get3A_45] {strides = array<i32>} : memref<128xi32, #tpu.memory_space<vmem>>, vector<16xi32>,
      tpu.vector_store_idx %arg11[%get3A_46], %broadcast_in_dim3A_20 {add = true} : memref<10240xf32, #tpu.memory_space<vmem>>[vector<16xi32>], vector<16xf32>,
      %get3A_47 = arith.constant 80 : index
      %get3A_48 = tpu.vector_load %arg9[%get3A_47] {strides = array<i32>} : memref<128xi32, #tpu.memory_space<vmem>>, vector<16xi32>,
      tpu.vector_store_idx %arg11[%get3A_48], %broadcast_in_dim3A_20 {add = true} : memref<10240xf32, #tpu.memory_space<vmem>>[vector<16xi32>], vector<16xf32>,
      %get3A_49 = arith.constant 96 : index
      %get3A_50 = tpu.vector_load %arg9[%get3A_49] {strides = array<i32>} : memref<128xi32, #tpu.memory_space<vmem>>, vector<16xi32>,
      tpu.vector_store_idx %arg11[%get3A_50], %broadcast_in_dim3A_20 {add = true} : memref<10240xf32, #tpu.memory_space<vmem>>[vector<16xi32>], vector<16xf32>,
      %get3A_51 = arith.constant 112 : index
      %get3A_52 = tpu.vector_load %arg9[%get3A_51] {strides = array<i32>} : memref<128xi32, #tpu.memory_space<vmem>>, vector<16xi32>,
      tpu.vector_store_idx %arg11[%get3A_52], %broadcast_in_dim3A_20 {add = true} : memref<10240xf32, #tpu.memory_space<vmem>>[vector<16xi32>], vector<16xf32>,
    }
    "tpu.region"() ({
      %run_scoped3A = tpu.sem_alloc : memref<!tpu.dma_semaphore, #tpu.memory_space<semaphore_mem>>
      %dma_start3A = arith.constant 0 : i32
      %dma_start3A_30 = tpu.memref_slice %arg7[%add3A, %dma_start3A] : memref<32x10240xf32, #tpu.memory_space<hbm>> -> memref<1x10240xf32, #tpu.memory_space<hbm>>
      %dma_start3A_31 = tpu.memref_squeeze %dma_start3A_30 : memref<1x10240xf32, #tpu.memory_space<hbm>> -> memref<10240xf32, #tpu.memory_space<hbm>>
      %dma_start3A_32 = arith.constant 0 : i32
      %dma_start3A_33 = tpu.memref_slice %arg7[%add3A, %dma_start3A_32] : memref<32x10240xf32, #tpu.memory_space<hbm>> -> memref<1x10240xf32, #tpu.memory_space<hbm>>
      %dma_start3A_34 = tpu.memref_squeeze %dma_start3A_33 : memref<1x10240xf32, #tpu.memory_space<hbm>> -> memref<10240xf32, #tpu.memory_space<hbm>>
      tpu.enqueue_dma source(%arg11 : memref<10240xf32, #tpu.memory_space<vmem>>) target(%dma_start3A_34 : memref<10240xf32, #tpu.memory_space<hbm>>) target_semaphore(%run_scoped3A : memref<!tpu.dma_semaphore, #tpu.memory_space<semaphore_mem>>)
      %dma_wait3A = arith.constant 0 : i32
      %dma_wait3A_35 = tpu.memref_slice %arg7[%add3A, %dma_wait3A] : memref<32x10240xf32, #tpu.memory_space<hbm>> -> memref<1x10240xf32, #tpu.memory_space<hbm>>
      %dma_wait3A_36 = tpu.memref_squeeze %dma_wait3A_35 : memref<1x10240xf32, #tpu.memory_space<hbm>> -> memref<10240xf32, #tpu.memory_space<hbm>>
      %dma_wait3A_37 = arith.constant 0 : i32
      %dma_wait3A_38 = tpu.memref_slice %arg7[%add3A, %dma_wait3A_37] : memref<32x10240xf32, #tpu.memory_space<hbm>> -> memref<1x10240xf32, #tpu.memory_space<hbm>>
      %dma_wait3A_39 = tpu.memref_squeeze %dma_wait3A_38 : memref<1x10240xf32, #tpu.memory_space<hbm>> -> memref<10240xf32, #tpu.memory_space<hbm>>
      tpu.wait_dma2 semaphore(%run_scoped3A : memref<!tpu.dma_semaphore, #tpu.memory_space<semaphore_mem>>) src(%arg11 : memref<10240xf32, #tpu.memory_space<vmem>>) dst(%dma_wait3A_39 : memref<10240xf32, #tpu.memory_space<hbm>>)
      tpu.yield
    }) : () -> ()
    %barrier3A_29 = arith.constant 0 : index
    tpu.barrier barrier_id(%barrier3A_29)
    "tpu.region"() ({
      %run_scoped3A = tpu.sem_alloc : memref<!tpu.dma_semaphore, #tpu.memory_space<semaphore_mem>>
      %dma_start3A = arith.constant 0 : i32
      %dma_start3A_30 = arith.constant 0 : i32
      %dma_start3A_31 = tpu.memref_slice %arg6[%arg0, %dma_start3A, %dma_start3A_30] : memref<2x10112x128xf32, #tpu.memory_space<hbm>> -> memref<1x10112x128xf32, #tpu.memory_space<hbm>>
      %dma_start3A_32 = tpu.memref_squeeze %dma_start3A_31 : memref<1x10112x128xf32, #tpu.memory_space<hbm>> -> memref<10112x128xf32, #tpu.memory_space<hbm>>
      %dma_start3A_33 = arith.constant 0 : i32
      %dma_start3A_34 = tpu.memref_slice %dma_start3A_32[%mul3A_2, %dma_start3A_33] : memref<10112x128xf32, #tpu.memory_space<hbm>> -> memref<632x128xf32, #tpu.memory_space<hbm>>
      %dma_start3A_35 = arith.constant 0 : i32
      %dma_start3A_36 = tpu.memref_slice %arg12[%mul3A_2, %dma_start3A_35] : memref<10112x128xf32, #tpu.memory_space<vmem_shared>> -> memref<632x128xf32, #tpu.memory_space<vmem_shared>>
      tpu.enqueue_dma source(%dma_start3A_36 : memref<632x128xf32, #tpu.memory_space<vmem_shared>>) target(%dma_start3A_34 : memref<632x128xf32, #tpu.memory_space<hbm>>) target_semaphore(%run_scoped3A : memref<!tpu.dma_semaphore, #tpu.memory_space<semaphore_mem>>)
      %dma_wait3A = arith.constant 0 : i32
      %dma_wait3A_37 = arith.constant 0 : i32
      %dma_wait3A_38 = tpu.memref_slice %arg6[%arg0, %dma_wait3A, %dma_wait3A_37] : memref<2x10112x128xf32, #tpu.memory_space<hbm>> -> memref<1x10112x128xf32, #tpu.memory_space<hbm>>
      %dma_wait3A_39 = tpu.memref_squeeze %dma_wait3A_38 : memref<1x10112x128xf32, #tpu.memory_space<hbm>> -> memref<10112x128xf32, #tpu.memory_space<hbm>>
      %dma_wait3A_40 = arith.constant 0 : i32
      %dma_wait3A_41 = tpu.memref_slice %dma_wait3A_39[%mul3A_2, %dma_wait3A_40] : memref<10112x128xf32, #tpu.memory_space<hbm>> -> memref<632x128xf32, #tpu.memory_space<hbm>>
      %dma_wait3A_42 = arith.constant 0 : i32
      %dma_wait3A_43 = tpu.memref_slice %arg12[%mul3A_2, %dma_wait3A_42] : memref<10112x128xf32, #tpu.memory_space<vmem_shared>> -> memref<632x128xf32, #tpu.memory_space<vmem_shared>>
      tpu.wait_dma2 semaphore(%run_scoped3A : memref<!tpu.dma_semaphore, #tpu.memory_space<semaphore_mem>>) src(%dma_wait3A_43 : memref<632x128xf32, #tpu.memory_space<vmem_shared>>) dst(%dma_wait3A_41 : memref<632x128xf32, #tpu.memory_space<hbm>>)
      tpu.yield
    }) : () -> ()
    return
  }
}

module attributes {stable_mosaic.version = 14 : i64} {
  func.func @_fin_body(%arg0: i32, %arg1: memref<2x400x128xf32, #tpu.memory_space<vmem>>, %arg2: memref<32x400x1xf32, #tpu.memory_space<vmem>>, %arg3: memref<1x128xf32, #tpu.memory_space<vmem>>, %arg4: memref<400x256xf32, #tpu.memory_space<vmem>>) attributes {dimension_semantics = [#tpu.dimension_semantics<arbitrary>], iteration_bounds = array<i64: 25>, scalar_prefetch = 0 : i64, scratch_operands = 0 : i64, tpu.core_type = #tpu.core_type<tc>, window_params = [{transform_indices = @transform_0, window_bounds = array<i64: 2, 400, 128>}, {transform_indices = @transform_1, window_bounds = array<i64: 32, 400, 1>}, {pipeline_mode = #tpu.pipeline_mode<synchronous>, transform_indices = @transform_2, window_bounds = array<i64: 1, 128>}, {transform_indices = @transform_3, window_bounds = array<i64: 400, 256>}]} {
    %get3A = arith.constant 0 : index
    %get3A_0 = arith.constant 0 : index
    %get3A_1 = arith.constant 0 : index
    %get3A_2 = vector.load %arg1[%get3A, %get3A_0, %get3A_1] : memref<2x400x128xf32, #tpu.memory_space<vmem>>, vector<1x400x128xf32>
    %get3A_3 = vector.shape_cast %get3A_2 : vector<1x400x128xf32> to vector<400x128xf32>
    %get3A_4 = arith.constant 1 : index
    %get3A_5 = arith.constant 0 : index
    %get3A_6 = arith.constant 0 : index
    %get3A_7 = vector.load %arg1[%get3A_4, %get3A_5, %get3A_6] : memref<2x400x128xf32, #tpu.memory_space<vmem>>, vector<1x400x128xf32>
    %get3A_8 = vector.shape_cast %get3A_7 : vector<1x400x128xf32> to vector<400x128xf32>
    %add3A = arith.addf %get3A_3, %get3A_8 : vector<400x128xf32>
    %swap3A = arith.constant 0 : index
    %swap3A_9 = arith.constant 0 : index
    %swap3A_10 = vector.load %arg4[%swap3A, %swap3A_9] : memref<400x256xf32, #tpu.memory_space<vmem>>, vector<400x128xf32>
    tpu.vector_store %arg4[%swap3A, %swap3A_9], %add3A {strides = array<i32>} : memref<400x256xf32, #tpu.memory_space<vmem>>, vector<400x128xf32>,
    %get3A_11 = arith.constant 0 : index
    %get3A_12 = arith.constant 0 : index
    %get3A_13 = arith.constant 0 : index
    %get3A_14 = vector.load %arg2[%get3A_11, %get3A_12, %get3A_13] : memref<32x400x1xf32, #tpu.memory_space<vmem>>, vector<32x400x1xf32>
    %reduce_sum3A = arith.constant dense<0.000000e+00> : vector<400x1xf32>
    %reduce_sum3A_15 = vector.multi_reduction <add>, %get3A_14, %reduce_sum3A [0] : vector<32x400x1xf32> to vector<400x1xf32>
    %get3A_16 = arith.constant 0 : index
    %get3A_17 = arith.constant 0 : index
    %get3A_18 = vector.load %arg3[%get3A_16, %get3A_17] : memref<1x128xf32, #tpu.memory_space<vmem>>, vector<1x128xf32>
    %mul3A = vector.broadcast %reduce_sum3A_15 : vector<400x1xf32> to vector<400x128xf32>
    %mul3A_19 = vector.broadcast %get3A_18 : vector<1x128xf32> to vector<400x128xf32>
    %mul3A_20 = arith.mulf %mul3A, %mul3A_19 : vector<400x128xf32>
    %swap3A_21 = arith.constant 0 : index
    %swap3A_22 = arith.constant 128 : index
    %swap3A_23 = vector.load %arg4[%swap3A_21, %swap3A_22] : memref<400x256xf32, #tpu.memory_space<vmem>>, vector<400x128xf32>
    tpu.vector_store %arg4[%swap3A_21, %swap3A_22], %mul3A_20 {strides = array<i32>} : memref<400x256xf32, #tpu.memory_space<vmem>>, vector<400x128xf32>,
    return
  }
  func.func @transform_0(%arg0: i32) -> (i32, i32, i32) {
    %c0_i32 = arith.constant 0 : i32
    %c0_i32_0 = arith.constant 0 : i32
    %c0_i32_1 = arith.constant 0 : i32
    return %c0_i32, %arg0, %c0_i32_0 : i32, i32, i32
  }
  func.func @transform_1(%arg0: i32) -> (i32, i32, i32) {
    %c0_i32 = arith.constant 0 : i32
    %c0_i32_0 = arith.constant 0 : i32
    %c0_i32_1 = arith.constant 0 : i32
    return %c0_i32, %arg0, %c0_i32_0 : i32, i32, i32
  }
  func.func @transform_2(%arg0: i32) -> (i32, i32) {
    %c0_i32 = arith.constant 0 : i32
    %c0_i32_0 = arith.constant 0 : i32
    %c0_i32_1 = arith.constant 0 : i32
    return %c0_i32, %c0_i32_0 : i32, i32
  }
  func.func @transform_3(%arg0: i32) -> (i32, i32) {
    %c0_i32 = arith.constant 0 : i32
    %c0_i32_0 = arith.constant 0 : i32
    return %arg0, %c0_i32 : i32, i32
  }
}

</mosaic_0001>

<sc_bundles>
// kernel: kernel.4.cloned.1.call-start
scs
__scs_entry_jumppad:
0x0: {  	(pc) =	sbr.rel $0x88, $3  }
0x1: {  	(tag) =	ssettag $0x0;
	lr =	simm.s32 $0x1  }
0x2: {  	[smem:$0x3F9E] =	sst lr;
	_ =	strace $0xD0000000  }
0x3: {  	_ = 	snop  }
0x4: {  	_ = 	snop  }
0x5: {  	_ = 	snop  }
0x6: {  	_ = 	snop  }
0x7: {  	_ = 	snop  }
__scs_overlays_trampoline_lowered:
0x8: {  	[smem:$0x3FAD] =	sst s0  }
0x9: {  	[smem:$0x3FAE] =	sst s1  }
0xa: {  	[smem:$0x3FAF] =	sst s2  }
0xb: {  	[smem:$0x3FB0] =	sst s3  }
0xc: {  	[smem:$0x3FB1] =	sst s4  }
0xd: {  	[smem:$0x3FB2] =	sst s5  }
0xe: {  	[smem:$0x3FB3] =	sst s6  }
0xf: {  	[smem:$0x3FB4] =	sst s7  }
0x10: {  	[smem:$0x3FB5] =	sst s8  }
0x11: {  	[smem:$0x3FB6] =	sst s9;
	s0 =	simm.s32 @!p0 $0x0  }
0x12: {  	s1 =	sld [smem:$0x3F9C];
	s0 =	simm.s32 @p0 $0x1  }
0x13: {  	[smem:$0x3FB7] =	sst s0;
	s0 =	simm.s32 @!p1 $0x0  }
0x14: {  	s2 =	sld [smem:$0x3F9B];
	s0 =	simm.s32 @p1 $0x1  }
0x15: {  	[smem:$0x3FB8] =	sst s0;
	s0 =	simm.s32 @!p2 $0x0  }
0x16: {  	s3 =	sld [smem:$0x3FDB];
	s0 =	simm.s32 @p2 $0x1  }
0x17: {  	s4 =	simm.s32 $0x1BF5;
	[smem:$0x3FBA] =	sst s0  }
0x18: {  	s0 =	sld [smem:$0x3F9D];
	_ =	swait.ge [sflag:s4], $0x0  }
0x19: {  	s7 =	sld [smem:$0x3F9E]  }
0x1a: {  	s8 =	sadd.s32 $0xFFFFE003, lr  }
0x1b: {  	s9 =	sadd.s32 $0xFFFFFEF7, lr;
	s5 =	simm.s32 $0xFFFFFFFF;
	p2 =	slt.u32 s8, $0xFFFFF086  }
0x1c: {  	p1 =	slt.u32 s9, $0xF7A;
	s5 =	simm.s32 @!p2 $0x0  }
0x1d: {  	s5 =	simm.s32 @p1 $0x1;
	p0 =	seq.s32 s7, s2  }
0x1e: {  	s7 =	smul.u32 @!p0 $0xF7A, s2;
	p2 =	seq.s32 @!p0 s5, $0x0  }
0x1f: {  	s9 =	smul.u32 $0xF7A, s1;
	s8 =	simm.s32 @!p0 $0x1BF5;
	p2 =	por !p2, p0  }
0x20: {  	[sflag:s8] =	ssyncset.s32 @!p0 $0xFFFFF086;
	s6 =	sadd.s32 @!p0 s3, s7;
	s7 =	simm.s32 @!p0 $0x108  }
0x21: {  	s3 =	sadd.s32 s3, s9;
	s6 =	sadd.s32 @!p0 $0x88, s6;
	s7 =	simm.s32 @p2 $0x1082  }
0x22: {  	[simem:s7], [sflag:s8] =	dma.local @!p0 [hbm:s6], $0xF7A  }
0x23: {  	s9 =	sor.u32 $0xD0000000, s2;
	s6 =	simm.s32 $0x108;
	_ =	swait.ge @!p0 [sflag:s8], $0x0  }
0x24: {  	s3 =	sadd.s32 $0x88, s3;
	s6 =	simm.s32 @!p1 $0x1082;
	[sflag:s4] =	ssyncset.s32 $0xFFFFF086  }
0x25: {  	[simem:s6], [sflag:s4] =	dma.local [hbm:s3], $0xF7A  }
0x26: {  	[smem:$0x3F9E] =	sst s1;
	(tag) =	ssettag s2;
	_ =	strace s9  }
0x27: {  	s1 =	sld [smem:$0x3FAE]  }
0x28: {  	s2 =	sld [smem:$0x3FAF]  }
0x29: {  	s4 =	sld [smem:$0x3FB1]  }
0x2a: {  	p0 =	seq.s32 s5, $0x0;
	s5 =	sld [smem:$0x3FB2]  }
0x2b: {  	s6 =	sld [smem:$0x3FB3]  }
0x2c: {  	s7 =	sld [smem:$0x3FB4]  }
0x2d: {  	s3 =	simm.s32 $0x108;
	s8 =	sld [smem:$0x3FB5]  }
0x2e: {  	s3 =	simm.s32 @!p0 $0x1082;
	s9 =	sld [smem:$0x3FB6]  }
0x2f: {  	lr =	sadd.s32 s0, s3;
	s0 =	sld [smem:$0x3FAD]  }
0x30: {  	s3 =	sld [smem:$0x3FB0]  }
0x31: {  	[smem:$0x3FB9] =	sst s10  }
0x32: {  	s10 =	sld [smem:$0x3FB7];
	_ =	sdelay $0x3  }
0x33: {  	p0 =	seq.s32 s10, $0x1;
	s10 =	sld [smem:$0x3FB9];
	_ =	sdelay $0x3  }
0x34: {  	[smem:$0x3FB9] =	sst s10  }
0x35: {  	s10 =	sld [smem:$0x3FB8];
	_ =	sdelay $0x3  }
0x36: {  	p1 =	seq.s32 s10, $0x1;
	s10 =	sld [smem:$0x3FB9];
	_ =	sdelay $0x3  }
0x37: {  	[smem:$0x3FB9] =	sst s10  }
0x38: {  	s10 =	sld [smem:$0x3FBA]  }
0x39: {  	_ = 	snop;
	(pc) =	sbr.ind lr, $3  }
0x3a: {  	_ = 	snop  }
0x3b: {  	_ = 	snop  }
0x3c: {  	p2 =	seq.s32 s10, $0x1;
	s10 =	sld [smem:$0x3FB9]  }
0x3d: {  	_ =	shalt  }
0x3e: {  	_ =	shalt  }
0x3f: {  	_ =	shalt  }
0x40: {  	_ =	shalt  }
0x41: {  	_ =	shalt  }
0x42: {  	_ =	shalt  }
0x43: {  	_ =	shalt  }
0x44: {  	_ =	shalt  }
0x45: {  	_ =	shalt  }
0x46: {  	_ =	shalt  }
0x47: {  	_ =	shalt  }
0x48: {  	_ =	shalt  }
0x49: {  	_ =	shalt  }
0x4a: {  	_ =	shalt  }
0x4b: {  	_ =	shalt  }
0x4c: {  	_ =	shalt  }
0x4d: {  	_ =	shalt  }
0x4e: {  	_ =	shalt  }
0x4f: {  	_ =	shalt  }
0x50: {  	_ =	shalt  }
0x51: {  	_ =	shalt  }
0x52: {  	_ =	shalt  }
0x53: {  	_ =	shalt  }
0x54: {  	_ =	shalt  }
0x55: {  	_ =	shalt  }
0x56: {  	_ =	shalt  }
0x57: {  	_ =	shalt  }
0x58: {  	_ =	shalt  }
0x59: {  	_ =	shalt  }
0x5a: {  	_ =	shalt  }
0x5b: {  	_ =	shalt  }
0x5c: {  	_ =	shalt  }
0x5d: {  	_ =	shalt  }
0x5e: {  	_ =	shalt  }
0x5f: {  	_ =	shalt  }
0x60: {  	_ =	shalt  }
0x61: {  	_ =	shalt  }
0x62: {  	_ =	shalt  }
0x63: {  	_ =	shalt  }
0x64: {  	_ =	shalt  }
0x65: {  	_ =	shalt  }
0x66: {  	_ =	shalt  }
0x67: {  	_ =	shalt  }
0x68: {  	_ =	shalt  }
0x69: {  	_ =	shalt  }
0x6a: {  	_ =	shalt  }
0x6b: {  	_ =	shalt  }
0x6c: {  	_ =	shalt  }
0x6d: {  	_ =	shalt  }
0x6e: {  	_ =	shalt  }
0x6f: {  	_ =	shalt  }
0x70: {  	_ =	shalt  }
0x71: {  	_ =	shalt  }
0x72: {  	_ =	shalt  }
0x73: {  	_ =	shalt  }
0x74: {  	_ =	shalt  }
0x75: {  	_ =	shalt  }
0x76: {  	_ =	shalt  }
0x77: {  	_ =	shalt  }
0x78: {  	_ =	shalt  }
0x79: {  	_ =	shalt  }
0x7a: {  	_ =	shalt  }
0x7b: {  	_ =	shalt  }
0x7c: {  	_ =	shalt  }
0x7d: {  	_ =	shalt  }
0x7e: {  	_ =	shalt  }
0x7f: {  	_ =	shalt  }
0x80: {  	_ =	shalt  }
0x81: {  	_ =	shalt  }
0x82: {  	_ =	shalt  }
0x83: {  	_ =	shalt  }
0x84: {  	_ =	shalt  }
0x85: {  	_ =	shalt  }
0x86: {  	_ =	shalt  }
0x87: {  	_ =	shalt  }
.Lfunc_end0:
.L_simem_size_0:
called_computation_lowered:
.L_overlay_start_0:
0x88: {  	s2 =	sld [smem:$0x3FD9]  }
0x89: {  	s3 =	sld [smem:$0x3FFE];
	_ =	sdelay $0x1  }
0x8a: {  	s1 =	srdreg.scid  }
0x8b: {  	s0 =	sand.u32 $0x1, s1  }
0x8c: {  	s17 =	sshll.u32 s0, $0xA;
	s2 =	sadd.s32 s3, s2  }
0x8d: {  	s2 =	sadd.s32 s2, s17  }
0x8e: {  	[smem:$0x3FC5] =	sst s2  }
0x8f: {  	_ = 	snop  }
0x90: {  	s2 =	sld [smem:$0x3FC9]  }
0x91: {  	s18 =	sld [smem:$0x3FD0];
	(tm) =	ssettm $0x1  }
0x92: {  	s4 =	sld [smem:$0x3FFB];
	_ =	sdelay $0x3  }
0x93: {  	_ =	strace s4  }
0x94: {  	s4 =	sld [smem:$0x3FFC];
	_ =	sdelay $0x3  }
0x95: {  	_ =	strace s4  }
0x96: {  	s4 =	sld [smem:$0x3FFD];
	_ =	sdelay $0x3  }
0x97: {  	_ =	strace s4  }
0x98: {  	_ =	strace $0x8FFFFFFF  }
0x99: {  	s19 =	sld [smem:$0x3FDB];
	_ =	sdelay $0x1  }
0x9a: {  	s5 =	simm.s32 $_scs_section_size  }
0x9b: {  	s6 =	simm.s32 $_size__tile_overlayer_lowered;
	s7 =	simm.s32 $_tile_overlayer_lowered  }
0x9c: {  	s22 =	simm.s32 $0x1BFF;
	s21 =	sshll.u32 s7, $0x1;
	s4 =	sadd.s32 s5, s19  }
0x9d: {  	s8 =	simm.s32 $0x0;
	s20 =	sshll.u32 s6, $0x1;
	s6 =	sadd.s32 s21, s4  }
0x9e: {  	[timem:s8], [sflag:s22] =	dma.local [hbm:s6], s20  }
0x9f: {  	_ =	swait.ge [sflag:s22], s20  }
0xa0: {  	s5 =	ssub.s32 $0x0, s20;
	[sflag:s22] =	ssyncset.done $0x0  }
0xa1: {  	[sflag:s22] =	ssyncadd.s32 s5;
	_ =	sdelay $0x1  }
0xa2: {  	s23 =	simm.s32 $0x1B8B  }
0xa3: {  	_ =	swait.ge [sflag:s23], $0x1  }
0xa4: {  	[sflag:s23] =	ssyncset.done $0x0  }
0xa5: {  	s25 =	simm.s32 $0x1B8E;
	s24 =	sld [smem:$0x3FFE];
	[sflag:s23] =	ssyncadd.s32 $0xFFFFFFFF  }
0xa6: {  	s26 =	simm.s32 $execute0_lowered;
	[smem:$0x3FD2] =	sst s25  }
0xa7: {  	s6 =	sshll.u32 s26, $0x1;
	_ =	strace $0x80000046;
	[dreg:$0x1] =	wrdreg $0xFFFFFFFF  }
0xa8: {  	s28 =	simm.s32 $_size_execute0_lowered;
	s4 =	sadd.s32 s4, s6;
	[dreg:$0x0] =	wrdreg $0x0  }
0xa9: {  	s6 =	sshll.u32 s28, $0x1;
	[dreg:$0x2] =	wrdreg s4  }
0xaa: {  	[dreg:$0x3] =	wrdreg s6  }
0xab: {  	[dreg:$0x4] =	wrdreg $0xC0  }
0xac: {  	_ =	task [dreg:s8], $0x5FFFF  }
0xad: {  	[dreg:$0x1] =	wrdreg $0xFFFFFFFF  }
0xae: {  	[dreg:$0x0] =	wrdreg $0x60  }
0xaf: {  	[dreg:$0x2] =	wrdreg s2  }
0xb0: {  	[dreg:$0x3] =	wrdreg s24  }
0xb1: {  	[dreg:$0x4] =	wrdreg s18  }
0xb2: {  	[dreg:$0x5] =	wrdreg $0x69000  }
0xb3: {  	[dreg:$0x6] =	wrdreg $0x9  }
0xb4: {  	_ =	task.clear_ibuf [dreg:s8], $0x7FFFF;
	_ =	strace $0x90000046  }
0xb5: {  	s29 =	simm.s32 $0x9;
	_ =	strace $0x80000048  }
0xb6: {  	_ =	swait.ge [sflag:s29], $0x1  }
0xb7: {  	[sflag:s29] =	ssyncadd.s32 $0xFFFFFFFF  }
0xb8: {  	_ =	strace $0x90000048  }
0xb9: {  	_ =	sfence  }
0xba: {  	s30 =	sld [smem:$0x0];
	_ =	sdelay $0x2  }
0xbb: {  	s31 =	sshll.u32 s1, $0xD;
	s1 =	sshrl.u32 s1, $0x2  }
0xbc: {  	s3 =	sand.u32 $0x4000, s31;
	s1 =	sadd.s32 s1, s30  }
0xbd: {  	s0 =	sor.u32 s3, s0;
	s1 =	sshll.u32 s1, $0x11  }
0xbe: {  	s0 =	sor.u32 s1, s0  }
0xbf: {  	s0 =	sadd.s32 $0x8F2B, s0  }
0xc0: {  	[sflag:s0] =	ssyncadd.remote.s32 $0x1  }
0xc1: {  	_ =	sfence.sel $0xFFFF  }
0xc2: {  	[dreg:$0x0] =	wrdreg $0xFFFFFFFF;
	(pc) =	sbr.abs _section_cstart, $3  }
0xc3: {  	[dreg:$0x1] =	wrdreg $0xFFFFFFFF  }
0xc4: {  	_ =	task.clear_ibuf [dreg:s8], $0x2FFFF;
	_ =	strace $0x9FFFFFFF  }
0xc5: {  	(tm) =	ssettm $0x7FFFFFFF  }
tec
execute0_lowered:
.L_overlay_start_1:
0x0: {  	(tag) =	ssettag $0x1  }
0x1: {  	s1 =	rddreg [dreg:$0x0]  }
0x2: {  	s5 =	rddreg [dreg:$0x1]  }
0x3: {  	s6 =	rddreg [dreg:$0x2]  }
0x4: {  	s2 =	rddreg [dreg:$0x3]  }
0x5: {  	s3 =	srdreg.scid;
	s0 =	rddreg [dreg:$0x4];
	s4 =	simm.s32 $0x0  }
0x6: {  	s14 =	simm.s32 $0x80;
	s7 =	sand.u32 $0x1, s3;
	s3 =	stileid.u32  }
0x7: {  	s15 =	simm.s32 $0x100;
	s16 =	simm.s32 $0x1;
	s9 =	smul.u32 $0x2100, s3  }
0x8: {  	s17 =	simm.s32 $0x4100;
	s18 =	simm.s32 $0x400;
	s10 =	smul.u32 $0x2D80, s3  }
0x9: {  	[smem:$0x7FF] =	sst s4;
	s8 =	sshll.u32 s7, $0x4;
	s25 =	smul.u32 $0x27800, s7  }
0xa: {  	p0 =	seq.s32 s7, $0x0;
	s11 =	sshll.u32 s3, $0x7;
	s26 =	smul.u32 $0x4F000, s3  }
0xb: {  	_ =	strace $0x80000047;
	s29 =	ssub.s32 $0x2, s7;
	s19 =	smul.u32 $0x2780, s3  }
0xc: {  	s31 =	sshll.u32 s3, $0x6;
	s8 =	sor.u32 s3, s8;
	s24 =	sand.u32 $0x380, s11  }
0xd: {  	s7 =	sshrl.u32 s29, $0x1;
	s8 =	sshrl.u32 s8, $0x3;
	s9 =	sadd.s32 $0x2D800, s9  }
0xe: {  	s30 =	ssub.s32 s29, s7;
	s7 =	simm.s32 $0x5B;
	s8 =	smul.u32 $0x14000, s8  }
0xf: {  	s28 =	sadd.s32 s25, s5;
	s9 =	smov.u32 @p0 s10;
	s7 =	simm.s32 @!p0 $0x42  }
0x10: {  	s20 =	sadd.s32 $0x1EA00, s28;
	s9 =	sshrl.u32 s9, $0x3;
	s8 =	sor.u32 s24, s8  }
0x11: {  	s12 =	sadd.s32 s9, s5;
	s9 =	sshrl.u32 s26, $0x2;
	s8 =	sshrl.u32 s8, $0x3  }
0x12: {  	s13 =	sadd.s32 s9, s2;
	s9 =	smax.u32 s30, $0x1;
	s10 =	sadd.s32 $0xE00, s12  }
0x13: {  	s11 =	sadd.s32 $0xAC00, s12;
	s8 =	sadd.s32 s8, s5;
	s5 =	sadd.s32 s6, s19  }
0x14: {  	s6 =	sor.u32 $0x1C02, s31;
	s12 =	sshrl.u32 s13, $0x3;
	s13 =	simm.s32 $0x2  }
0x15: {  	v0 =	vimm.f32 $0.0e+00;
	v1 =	vimm.f32 $1.000000000e+00;
	s19 =	sadd.s32 s19, s20;
	s20 =	simm.s32 $0x0;
	s8 =	sadd.s32 $0x14A00, s8  }
.LBB2_1:
0x16: {  	[spmem:s12], [sflag:s6] =	dma.local [hbm:s5], $0x2780  }
0x17: {  	_ =	swait.ge [sflag:s13], $0x2780  }
0x18: {  	[sflag:s13] =	ssyncset.done $0x0  }
0x19: {  	s21 =	simm.s32 $0x40;
	s22 =	simm.s32 $0x0;
	[sflag:s13] =	ssyncadd.s32 $0xFFFFD880  }
.LBB2_2:
0x1a: {  	p0 =	sne.s32 s21, $0x9FC0;
	[tilespmem:s22+$0x4100] =	vst v0;
	s22 =	smov.u32 s21;
	s21 =	sadd.s32 $0x40, s21  }
.Ltmp0:
0x1b: {  	(pc) =	sbr.rel @p0 .LBB2_2-.Ltmp0, $2  }
0x1c: {  	_ =	sdelay $0x2  }
0x1d: {  	s22 =	sshra.s32 s22, $0x2  }
0x1e: {  	[tilespmem:s22+$0x4100] =	vst v0;
	s21 =	smov.u32 s7  }
0x1f: {  	s22 =	smov.u32 s11;
	s23 =	smov.u32 s10;
	[bflag:$0x0] =	sbarrier.arrive $0xFFFF  }
.LBB2_4:
0x20: {  	[tilespmem:s4], [sflag:$0x2] =	stream.linear.gather [hbm4b:s22+s4], $0x80, $0x38;
	[tilespmem:$0x1A500] =	vst v63  }
0x21: {  	_ =	swait.ge [sflag:s13], $0x80  }
0x22: {  	[sflag:s13] =	ssyncset.done $0x0  }
0x23: {  	[sflag:s13] =	ssyncadd.s32 $0xFFFFFF80  }
0x24: {  	[tilespmem:s14], [sflag:$0x2] =	stream.linear.gather [hbm4b:s23+s4], $0x80, $0x38;
	[tilespmem:$0x1A500] =	vst v63  }
0x25: {  	_ =	swait.ge [sflag:s13], $0x80  }
0x26: {  	[sflag:s13] =	ssyncset.done $0x0  }
0x27: {  	[sflag:s13] =	ssyncadd.s32 $0xFFFFFF80  }
0x28: {  	[tilespmem:s15], [sflag:$0x1] =	stream.indirect.gather [hbm4b:s1+s14], $0x80, s4, s14, $0xb8;
	[tilespmem:$0x1A500] =	vst v63  }
0x29: {  	_ =	swait.ge [sflag:s16], $0x4000  }
0x2a: {  	[sflag:s16] =	ssyncset.done $0x0  }
0x2b: {  	[sflag:s16] =	ssyncadd.s32 $0xFFFFC000  }
0x2c: {  	[spmem:s2] =	stream.indirect.scatter.add.f32 [tilespmem:s15], [sflag:$0x2], $0x80, s14, s14, $0xb8;
	[tilespmem:$0x1A500] =	vst v63  }
0x2d: {  	_ =	swait.ge [sflag:s13], $0x4000  }
0x2e: {  	[sflag:s13] =	ssyncset.done $0x0  }
0x2f: {  	[sflag:s13] =	ssyncadd.s32 $0xFFFFC000  }
0x30: {  	v2 =	vld [tilespmem:$0x80];
	_ =	sdelay $0x7  }
0x31: {  	[tilespmem:v2+s17+$0x0] =	vst.idx.add.f32.msk $0xffff, v1  }
0x32: {  	v2 =	vld [tilespmem:$0x90];
	_ =	sdelay $0x7  }
0x33: {  	[tilespmem:v2+s17+$0x0] =	vst.idx.add.f32.msk $0xffff, v1  }
0x34: {  	v2 =	vld [tilespmem:$0xA0];
	_ =	sdelay $0x7  }
0x35: {  	[tilespmem:v2+s17+$0x0] =	vst.idx.add.f32.msk $0xffff, v1  }
0x36: {  	v2 =	vld [tilespmem:$0xB0];
	_ =	sdelay $0x7  }
0x37: {  	[tilespmem:v2+s17+$0x0] =	vst.idx.add.f32.msk $0xffff, v1  }
0x38: {  	v2 =	vld [tilespmem:$0xC0];
	_ =	sdelay $0x7  }
0x39: {  	[tilespmem:v2+s17+$0x0] =	vst.idx.add.f32.msk $0xffff, v1  }
0x3a: {  	v2 =	vld [tilespmem:$0xD0];
	_ =	sdelay $0x7  }
0x3b: {  	[tilespmem:v2+s17+$0x0] =	vst.idx.add.f32.msk $0xffff, v1  }
0x3c: {  	v2 =	vld [tilespmem:$0xE0];
	_ =	sdelay $0x7  }
0x3d: {  	[tilespmem:v2+s17+$0x0] =	vst.idx.add.f32.msk $0xffff, v1  }
0x3e: {  	v2 =	vld [tilespmem:$0xF0];
	_ =	sdelay $0x2  }
0x3f: {  	p0 =	sne.s32 s21, $0x1  }
.Ltmp1:
0x40: {  	_ = 	snop;
	(pc) =	sbr.rel @p0 .LBB2_4-.Ltmp1, $2  }
0x41: {  	_ =	sdelay $0x2  }
0x42: {  	s22 =	sadd.s32 $0x10, s22;
	s21 =	sadd.s32 $0xFFFFFFFF, s21;
	s23 =	sadd.s32 $0x10, s23;
	[tilespmem:v2+s17+$0x0] =	vst.idx.add.f32.msk $0xffff, v1  }
0x43: {  	[hbm4b:s8+s14] =	stream.strided.scatter [tilespmem:s17], [sflag:$0x2], $0x2800, s18, s14, $0x38;
	[tilespmem:$0x1A500] =	vst v63  }
0x44: {  	_ =	swait.ge [sflag:s13], $0x2800  }
0x45: {  	s20 =	sadd.s32 $0x1, s20;
	[sflag:s13] =	ssyncset.done $0x0  }
0x46: {  	p0 =	sne.s32 s20, s9;
	[sflag:s13] =	ssyncadd.s32 $0xFFFFD800  }
.Ltmp2:
0x47: {  	[bflag:$0x0] =	sbarrier.arrive $0xFFFF;
	(pc) =	sbr.rel @p0 .LBB2_1-.Ltmp2, $4  }
0x48: {  	[hbm:s19], [sflag:s6] =	dma.local [spmem:s12], $0x2780  }
0x49: {  	_ =	swait.ge [sflag:s13], $0x2780  }
0x4a: {  	[sflag:s13] =	ssyncset.done $0x0  }
0x4b: {  	[sflag:s13] =	ssyncadd.s32 $0xFFFFD880  }
0x4c: {  	_ =	sfence.sel $0x180000  }
0x4d: {  	[bflag:$0x0] =	sbarrier.arrive $0xFFFF  }
0x4e: {  	p0 =	sne.s32 s3, $0x0;
	_ =	strace $0x90000047  }
0x4f: {  	s0 =	sadd.s32 @!p0 $0x100000, s0;
	[bflag:$0x2] =	sbarrier.arrive $0xFFFF  }
0x50: {  	[sflag:s0] =	ssyncadd.tile.s32 @!p0 $0x1;
	_ =	shalt  }
.Lfunc_end2:
_tile_overlayer_lowered:
.L_overlay_start_2:
0x51: {  	(tag) =	ssettag $0x2  }
0x52: {  	s0 =	rddreg [dreg:$0x0];
	s2 =	stileid.u32  }
0x53: {  	s1 =	rddreg [dreg:$0x1];
	p0 =	sne.s32 s2, $0x0  }
0x54: {  	s3 =	rddreg [dreg:$0x2];
	[bflag:$0x3] =	sbarrier.arrive $0xFFFF;
	s2 =	simm.s32 @!p0 $0x1C02  }
0x55: {  	[timem:s3], [sflag:s2] =	dma.local @!p0 [hbm:s0], s1  }
0x56: {  	s0 =	simm.s32 @!p0 $0x2  }
0x57: {  	_ =	swait.ge @!p0 [sflag:s0], s1  }
0x58: {  	s1 =	ssub.s32 @!p0 $0x0, s1;
	[sflag:s0] =	ssyncset.done @!p0 $0x0  }
0x59: {  	[sflag:s0] =	ssyncadd.s32 @!p0 s1  }
0x5a: {  	[bflag:$0x3] =	sbarrier.arrive $0xFFFF  }
0x5b: {  	_ =	shalt  }

</sc_bundles>
